<compile_context>
chip_gen: v7x
topology: tpu7x:2x2x1
jax: 0.10.2.dev20260603
libtpu: 0.0.44.dev20260713+nightly
codegen_flags: <defaults>
</compile_context>

<pallas_src>
import functools

import jax
import jax.numpy as jnp
from jax import lax
from jax.experimental import pallas as pl
from jax.experimental.pallas import tpu as pltpu
from jax.experimental.pallas import tpu_sc as plsc

NTAGS = 16
NTOK = 16384
NC = 2
NS = 16
NW = NC * NS
BPW = NTOK // NW
CHUNK = 128
NCHUNK = BPW // CHUNK

_mesh = plsc.VectorSubcoreMesh(core_axis_name="c", subcore_axis_name="s")


@functools.partial(
    pl.kernel,
    out_type=jax.ShapeDtypeStruct((NC, NTAGS), jnp.float32),
    mesh=_mesh,
    scratch_types=[
        pltpu.VMEM((NCHUNK, CHUNK), jnp.int32),
        pltpu.VMEM((NCHUNK, CHUNK, NTAGS), jnp.float32),
        pltpu.VMEM((NTAGS,), jnp.float32),
        pltpu.VMEM((NS, NTAGS), jnp.float32),
        pltpu.VMEM((NTAGS,), jnp.float32),
        pltpu.VMEM_SHARED((NS, NTAGS), jnp.float32),
        pltpu.SemaphoreType.DMA,
    ],
    compiler_params=pltpu.CompilerParams(use_tc_tiling_on_sc=False),
)
def _bow_sc(x_hbm, table_hbm, bias_hbm, out_hbm,
            idx_v, rows_v, acc_v, comb_v, bias_v, sh, sem):
    cid = lax.axis_index("c")
    sid = lax.axis_index("s")
    wid = sid * NC + cid

    pltpu.sync_copy(x_hbm.at[wid], idx_v)

    copies = [
        pltpu.async_copy(table_hbm.at[idx_v.at[j]], rows_v.at[j], sem)
        for j in range(NCHUNK)
    ]
    for c in copies:
        c.wait()

    def body(i, accs):
        return tuple(accs[j] + rows_v[j, i, :] for j in range(NCHUNK))

    accs = lax.fori_loop(
        0, CHUNK, body,
        tuple(jnp.zeros((NTAGS,), jnp.float32) for _ in range(NCHUNK)),
    )
    total = (accs[0] + accs[1]) + (accs[2] + accs[3])
    acc_v[...] = total

    pltpu.sync_copy(acc_v, sh.at[sid])
    plsc.subcore_barrier()

    @pl.when(sid == 0)
    def _():
        pltpu.sync_copy(sh, comb_v)
        pltpu.sync_copy(bias_hbm, bias_v)
        core_sum = comb_v[0, :]
        for t in range(1, NS):
            core_sum = core_sum + comb_v[t, :]

        @pl.when(cid == 0)
        def _():
            acc_v[...] = core_sum + bias_v[...]

        @pl.when(cid != 0)
        def _():
            acc_v[...] = core_sum

        pltpu.sync_copy(acc_v, out_hbm.at[cid])


def kernel(x, table, bias):
    x4 = x.reshape(NW, NCHUNK, CHUNK)
    partials = _bow_sc(x4, table, bias)
    return (partials[0] + partials[1]).reshape(1, NTAGS)

# --- scband reference (transcript-rebuilt; emitter-appended) ---
"""Pipeline reference for scband-bo-w-35321811042429 (READ-ONLY COPY).

The authoritative reference and input builder live on the scoring server;
editing this copy changes nothing except your own understanding.
"""

import jax, jax.numpy as jnp
import numpy as np

NWORDS = 1000000
NTAGS = 16
NTOK = 16384


def setup_inputs(seed: int = 0) -> dict:
    key = jax.random.key(seed)
    k_idx, k_emb = jax.random.split(key)
    x = jax.random.randint(k_idx, (NTOK,), 0, NWORDS, dtype=jnp.int64 if jax.config.jax_enable_x64 else jnp.int32).astype(jnp.int32)
    # Xavier uniform init for the embedding table [nwords, ntags]
    fan_in, fan_out = NWORDS, NTAGS
    limit = float(np.sqrt(6.0 / (fan_in + fan_out)))
    table = jax.random.uniform(k_emb, (NWORDS, NTAGS), minval=-limit, maxval=limit, dtype=jnp.float32)
    bias = jnp.zeros((NTAGS,), dtype=jnp.float32)
    return {"x": x, "table": table, "bias": bias}


def reference(x, table, bias):
    # emb = Embedding(x): gather rows -> [NTOK, NTAGS]
    emb = jnp.take(table, x, axis=0)
    # sum over dim 0 (tokens) + bias -> [NTAGS]
    out = jnp.sum(emb, axis=0) + bias
    # view(1, -1)
    out = out.reshape(1, -1)
    return out

if __name__ == "__main__":
    import jax
    _d = setup_inputs()
    print(jax.jit(kernel)(*tuple(_d.values())))

</pallas_src>

<mosaic_0001>
#map = affine_map<(d0, d1) -> (0, 0, 0)>
#map1 = affine_map<(d0, d1) -> (0, 0)>
#map2 = affine_map<(d0, d1) -> (0)>
module attributes {stable_mosaic.version = 14 : i64} {
  func.func @_bow_sc(%arg0: i32, %arg1: i32, %arg2: memref<32x4x128xi32, #tpu.memory_space<hbm>>, %arg3: memref<1000000x16xf32, #tpu.memory_space<hbm>>, %arg4: memref<16xf32, #tpu.memory_space<hbm>>, %arg5: memref<2x16xf32, #tpu.memory_space<hbm>>, %arg6: memref<4x128xi32, #tpu.memory_space<vmem>>, %arg7: memref<4x128x16xf32, #tpu.memory_space<vmem>>, %arg8: memref<16xf32, #tpu.memory_space<vmem>>, %arg9: memref<16x16xf32, #tpu.memory_space<vmem>>, %arg10: memref<16xf32, #tpu.memory_space<vmem>>, %arg11: memref<16x16xf32, #tpu.memory_space<vmem_shared>>, %arg12: memref<!tpu.dma_semaphore, #tpu.memory_space<semaphore_mem>>) attributes {dimension_semantics = [#tpu.dimension_semantics<core_parallel>, #tpu.dimension_semantics<subcore_parallel>], iteration_bounds = array<i64: 2, 16>, scalar_prefetch = 0 : i64, scratch_operands = 7 : i64, tpu.core_type = #tpu.core_type<sc_vector_subcore>, window_params = [{transform_indices = #map}, {transform_indices = #map1}, {transform_indices = #map2}, {transform_indices = #map1}]} {
    %mul3A = arith.constant 2 : i32
    %mul3A_0 = arith.muli %arg1, %mul3A : i32
    %add3A = arith.addi %mul3A_0, %arg0 : i32
    "tpu.region"() ({
      %run_scoped3A = tpu.sem_alloc : memref<!tpu.dma_semaphore, #tpu.memory_space<semaphore_mem>>
      %dma_start3A_115 = arith.constant 0 : i32
      %dma_start3A_116 = arith.constant 0 : i32
      %dma_start3A_117 = tpu.memref_slice %arg2[%add3A, %dma_start3A_115, %dma_start3A_116] : memref<32x4x128xi32, #tpu.memory_space<hbm>> -> memref<1x4x128xi32, #tpu.memory_space<hbm>>
      %dma_start3A_118 = tpu.memref_squeeze %dma_start3A_117 : memref<1x4x128xi32, #tpu.memory_space<hbm>> -> memref<4x128xi32, #tpu.memory_space<hbm>>
      %dma_start3A_119 = arith.constant 0 : i32
      %dma_start3A_120 = arith.constant 0 : i32
      %dma_start3A_121 = tpu.memref_slice %arg2[%add3A, %dma_start3A_119, %dma_start3A_120] : memref<32x4x128xi32, #tpu.memory_space<hbm>> -> memref<1x4x128xi32, #tpu.memory_space<hbm>>
      %dma_start3A_122 = tpu.memref_squeeze %dma_start3A_121 : memref<1x4x128xi32, #tpu.memory_space<hbm>> -> memref<4x128xi32, #tpu.memory_space<hbm>>
      tpu.enqueue_dma source(%dma_start3A_122 : memref<4x128xi32, #tpu.memory_space<hbm>>) target(%arg6 : memref<4x128xi32, #tpu.memory_space<vmem>>) target_semaphore(%run_scoped3A : memref<!tpu.dma_semaphore, #tpu.memory_space<semaphore_mem>>)
      %dma_wait3A_123 = arith.constant 0 : i32
      %dma_wait3A_124 = arith.constant 0 : i32
      %dma_wait3A_125 = tpu.memref_slice %arg2[%add3A, %dma_wait3A_123, %dma_wait3A_124] : memref<32x4x128xi32, #tpu.memory_space<hbm>> -> memref<1x4x128xi32, #tpu.memory_space<hbm>>
      %dma_wait3A_126 = tpu.memref_squeeze %dma_wait3A_125 : memref<1x4x128xi32, #tpu.memory_space<hbm>> -> memref<4x128xi32, #tpu.memory_space<hbm>>
      %dma_wait3A_127 = arith.constant 0 : i32
      %dma_wait3A_128 = arith.constant 0 : i32
      %dma_wait3A_129 = tpu.memref_slice %arg2[%add3A, %dma_wait3A_127, %dma_wait3A_128] : memref<32x4x128xi32, #tpu.memory_space<hbm>> -> memref<1x4x128xi32, #tpu.memory_space<hbm>>
      %dma_wait3A_130 = tpu.memref_squeeze %dma_wait3A_129 : memref<1x4x128xi32, #tpu.memory_space<hbm>> -> memref<4x128xi32, #tpu.memory_space<hbm>>
      tpu.wait_dma2 semaphore(%run_scoped3A : memref<!tpu.dma_semaphore, #tpu.memory_space<semaphore_mem>>) src(%dma_wait3A_130 : memref<4x128xi32, #tpu.memory_space<hbm>>) dst(%arg6 : memref<4x128xi32, #tpu.memory_space<vmem>>)
      tpu.yield
    }) : () -> ()
    %dma_start3A = arith.constant 0 : i32
    %dma_start3A_1 = arith.constant 0 : i32
    %dma_start3A_2 = arith.constant 0 : i32
    %dma_start3A_3 = arith.constant 0 : i32
    %dma_start3A_4 = tpu.memref_slice %arg7[%dma_start3A_1, %dma_start3A_2, %dma_start3A_3] : memref<4x128x16xf32, #tpu.memory_space<vmem>> -> memref<1x128x16xf32, #tpu.memory_space<vmem>>
    %dma_start3A_5 = tpu.memref_squeeze %dma_start3A_4 : memref<1x128x16xf32, #tpu.memory_space<vmem>> -> memref<128x16xf32, #tpu.memory_space<vmem>>
    %dma_start3A_6 = arith.constant 0 : i32
    %dma_start3A_7 = tpu.memref_slice %arg6[%dma_start3A, %dma_start3A_6] : memref<4x128xi32, #tpu.memory_space<vmem>> -> memref<1x128xi32, #tpu.memory_space<vmem>>
    %dma_start3A_8 = tpu.memref_squeeze %dma_start3A_7 : memref<1x128xi32, #tpu.memory_space<vmem>> -> memref<128xi32, #tpu.memory_space<vmem>>
    %dma_start3A_9 = arith.constant 0 : i32
    %dma_start3A_10 = arith.constant 0 : i32
    %dma_start3A_11 = tpu.memref_slice %arg3[%dma_start3A_9, %dma_start3A_10] : memref<1000000x16xf32, #tpu.memory_space<hbm>> -> memref<1000000x16xf32, #tpu.memory_space<hbm>>
    tpu.enqueue_indirect_dma source(%dma_start3A_11 : memref<1000000x16xf32, #tpu.memory_space<hbm>>) target(%dma_start3A_5 : memref<128x16xf32, #tpu.memory_space<vmem>>) offsets(%dma_start3A_8 : memref<128xi32, #tpu.memory_space<vmem>>) semaphore(%arg12 : memref<!tpu.dma_semaphore, #tpu.memory_space<semaphore_mem>>)
    %dma_start3A_12 = arith.constant 1 : i32
    %dma_start3A_13 = arith.constant 1 : i32
    %dma_start3A_14 = arith.constant 0 : i32
    %dma_start3A_15 = arith.constant 0 : i32
    %dma_start3A_16 = tpu.memref_slice %arg7[%dma_start3A_13, %dma_start3A_14, %dma_start3A_15] : memref<4x128x16xf32, #tpu.memory_space<vmem>> -> memref<1x128x16xf32, #tpu.memory_space<vmem>>
    %dma_start3A_17 = tpu.memref_squeeze %dma_start3A_16 : memref<1x128x16xf32, #tpu.memory_space<vmem>> -> memref<128x16xf32, #tpu.memory_space<vmem>>
    %dma_start3A_18 = arith.constant 0 : i32
    %dma_start3A_19 = tpu.memref_slice %arg6[%dma_start3A_12, %dma_start3A_18] : memref<4x128xi32, #tpu.memory_space<vmem>> -> memref<1x128xi32, #tpu.memory_space<vmem>>
    %dma_start3A_20 = tpu.memref_squeeze %dma_start3A_19 : memref<1x128xi32, #tpu.memory_space<vmem>> -> memref<128xi32, #tpu.memory_space<vmem>>
    %dma_start3A_21 = arith.constant 0 : i32
    %dma_start3A_22 = arith.constant 0 : i32
    %dma_start3A_23 = tpu.memref_slice %arg3[%dma_start3A_21, %dma_start3A_22] : memref<1000000x16xf32, #tpu.memory_space<hbm>> -> memref<1000000x16xf32, #tpu.memory_space<hbm>>
    tpu.enqueue_indirect_dma source(%dma_start3A_23 : memref<1000000x16xf32, #tpu.memory_space<hbm>>) target(%dma_start3A_17 : memref<128x16xf32, #tpu.memory_space<vmem>>) offsets(%dma_start3A_20 : memref<128xi32, #tpu.memory_space<vmem>>) semaphore(%arg12 : memref<!tpu.dma_semaphore, #tpu.memory_space<semaphore_mem>>)
    %dma_start3A_24 = arith.constant 2 : i32
    %dma_start3A_25 = arith.constant 2 : i32
    %dma_start3A_26 = arith.constant 0 : i32
    %dma_start3A_27 = arith.constant 0 : i32
    %dma_start3A_28 = tpu.memref_slice %arg7[%dma_start3A_25, %dma_start3A_26, %dma_start3A_27] : memref<4x128x16xf32, #tpu.memory_space<vmem>> -> memref<1x128x16xf32, #tpu.memory_space<vmem>>
    %dma_start3A_29 = tpu.memref_squeeze %dma_start3A_28 : memref<1x128x16xf32, #tpu.memory_space<vmem>> -> memref<128x16xf32, #tpu.memory_space<vmem>>
    %dma_start3A_30 = arith.constant 0 : i32
    %dma_start3A_31 = tpu.memref_slice %arg6[%dma_start3A_24, %dma_start3A_30] : memref<4x128xi32, #tpu.memory_space<vmem>> -> memref<1x128xi32, #tpu.memory_space<vmem>>
    %dma_start3A_32 = tpu.memref_squeeze %dma_start3A_31 : memref<1x128xi32, #tpu.memory_space<vmem>> -> memref<128xi32, #tpu.memory_space<vmem>>
    %dma_start3A_33 = arith.constant 0 : i32
    %dma_start3A_34 = arith.constant 0 : i32
    %dma_start3A_35 = tpu.memref_slice %arg3[%dma_start3A_33, %dma_start3A_34] : memref<1000000x16xf32, #tpu.memory_space<hbm>> -> memref<1000000x16xf32, #tpu.memory_space<hbm>>
    tpu.enqueue_indirect_dma source(%dma_start3A_35 : memref<1000000x16xf32, #tpu.memory_space<hbm>>) target(%dma_start3A_29 : memref<128x16xf32, #tpu.memory_space<vmem>>) offsets(%dma_start3A_32 : memref<128xi32, #tpu.memory_space<vmem>>) semaphore(%arg12 : memref<!tpu.dma_semaphore, #tpu.memory_space<semaphore_mem>>)
    %dma_start3A_36 = arith.constant 3 : i32
    %dma_start3A_37 = arith.constant 3 : i32
    %dma_start3A_38 = arith.constant 0 : i32
    %dma_start3A_39 = arith.constant 0 : i32
    %dma_start3A_40 = tpu.memref_slice %arg7[%dma_start3A_37, %dma_start3A_38, %dma_start3A_39] : memref<4x128x16xf32, #tpu.memory_space<vmem>> -> memref<1x128x16xf32, #tpu.memory_space<vmem>>
    %dma_start3A_41 = tpu.memref_squeeze %dma_start3A_40 : memref<1x128x16xf32, #tpu.memory_space<vmem>> -> memref<128x16xf32, #tpu.memory_space<vmem>>
    %dma_start3A_42 = arith.constant 0 : i32
    %dma_start3A_43 = tpu.memref_slice %arg6[%dma_start3A_36, %dma_start3A_42] : memref<4x128xi32, #tpu.memory_space<vmem>> -> memref<1x128xi32, #tpu.memory_space<vmem>>
    %dma_start3A_44 = tpu.memref_squeeze %dma_start3A_43 : memref<1x128xi32, #tpu.memory_space<vmem>> -> memref<128xi32, #tpu.memory_space<vmem>>
    %dma_start3A_45 = arith.constant 0 : i32
    %dma_start3A_46 = arith.constant 0 : i32
    %dma_start3A_47 = tpu.memref_slice %arg3[%dma_start3A_45, %dma_start3A_46] : memref<1000000x16xf32, #tpu.memory_space<hbm>> -> memref<1000000x16xf32, #tpu.memory_space<hbm>>
    tpu.enqueue_indirect_dma source(%dma_start3A_47 : memref<1000000x16xf32, #tpu.memory_space<hbm>>) target(%dma_start3A_41 : memref<128x16xf32, #tpu.memory_space<vmem>>) offsets(%dma_start3A_44 : memref<128xi32, #tpu.memory_space<vmem>>) semaphore(%arg12 : memref<!tpu.dma_semaphore, #tpu.memory_space<semaphore_mem>>)
    %dma_wait3A = arith.constant 0 : i32
    %dma_wait3A_48 = arith.constant 0 : i32
    %dma_wait3A_49 = arith.constant 0 : i32
    %dma_wait3A_50 = arith.constant 0 : i32
    %dma_wait3A_51 = tpu.memref_slice %arg7[%dma_wait3A_48, %dma_wait3A_49, %dma_wait3A_50] : memref<4x128x16xf32, #tpu.memory_space<vmem>> -> memref<1x128x16xf32, #tpu.memory_space<vmem>>
    %dma_wait3A_52 = tpu.memref_squeeze %dma_wait3A_51 : memref<1x128x16xf32, #tpu.memory_space<vmem>> -> memref<128x16xf32, #tpu.memory_space<vmem>>
    %dma_wait3A_53 = arith.constant 0 : i32
    %dma_wait3A_54 = tpu.memref_slice %arg6[%dma_wait3A, %dma_wait3A_53] : memref<4x128xi32, #tpu.memory_space<vmem>> -> memref<1x128xi32, #tpu.memory_space<vmem>>
    %dma_wait3A_55 = tpu.memref_squeeze %dma_wait3A_54 : memref<1x128xi32, #tpu.memory_space<vmem>> -> memref<128xi32, #tpu.memory_space<vmem>>
    %dma_wait3A_56 = arith.constant 0 : i32
    %dma_wait3A_57 = arith.constant 0 : i32
    %dma_wait3A_58 = tpu.memref_slice %arg3[%dma_wait3A_56, %dma_wait3A_57] : memref<1000000x16xf32, #tpu.memory_space<hbm>> -> memref<1000000x16xf32, #tpu.memory_space<hbm>>
    tpu.wait_indirect_dma semaphore(%arg12 : memref<!tpu.dma_semaphore, #tpu.memory_space<semaphore_mem>>) src(%dma_wait3A_58 : memref<1000000x16xf32, #tpu.memory_space<hbm>>) dst(%dma_wait3A_52 : memref<128x16xf32, #tpu.memory_space<vmem>>)
    %dma_wait3A_59 = arith.constant 1 : i32
    %dma_wait3A_60 = arith.constant 1 : i32
    %dma_wait3A_61 = arith.constant 0 : i32
    %dma_wait3A_62 = arith.constant 0 : i32
    %dma_wait3A_63 = tpu.memref_slice %arg7[%dma_wait3A_60, %dma_wait3A_61, %dma_wait3A_62] : memref<4x128x16xf32, #tpu.memory_space<vmem>> -> memref<1x128x16xf32, #tpu.memory_space<vmem>>
    %dma_wait3A_64 = tpu.memref_squeeze %dma_wait3A_63 : memref<1x128x16xf32, #tpu.memory_space<vmem>> -> memref<128x16xf32, #tpu.memory_space<vmem>>
    %dma_wait3A_65 = arith.constant 0 : i32
    %dma_wait3A_66 = tpu.memref_slice %arg6[%dma_wait3A_59, %dma_wait3A_65] : memref<4x128xi32, #tpu.memory_space<vmem>> -> memref<1x128xi32, #tpu.memory_space<vmem>>
    %dma_wait3A_67 = tpu.memref_squeeze %dma_wait3A_66 : memref<1x128xi32, #tpu.memory_space<vmem>> -> memref<128xi32, #tpu.memory_space<vmem>>
    %dma_wait3A_68 = arith.constant 0 : i32
    %dma_wait3A_69 = arith.constant 0 : i32
    %dma_wait3A_70 = tpu.memref_slice %arg3[%dma_wait3A_68, %dma_wait3A_69] : memref<1000000x16xf32, #tpu.memory_space<hbm>> -> memref<1000000x16xf32, #tpu.memory_space<hbm>>
    tpu.wait_indirect_dma semaphore(%arg12 : memref<!tpu.dma_semaphore, #tpu.memory_space<semaphore_mem>>) src(%dma_wait3A_70 : memref<1000000x16xf32, #tpu.memory_space<hbm>>) dst(%dma_wait3A_64 : memref<128x16xf32, #tpu.memory_space<vmem>>)
    %dma_wait3A_71 = arith.constant 2 : i32
    %dma_wait3A_72 = arith.constant 2 : i32
    %dma_wait3A_73 = arith.constant 0 : i32
    %dma_wait3A_74 = arith.constant 0 : i32
    %dma_wait3A_75 = tpu.memref_slice %arg7[%dma_wait3A_72, %dma_wait3A_73, %dma_wait3A_74] : memref<4x128x16xf32, #tpu.memory_space<vmem>> -> memref<1x128x16xf32, #tpu.memory_space<vmem>>
    %dma_wait3A_76 = tpu.memref_squeeze %dma_wait3A_75 : memref<1x128x16xf32, #tpu.memory_space<vmem>> -> memref<128x16xf32, #tpu.memory_space<vmem>>
    %dma_wait3A_77 = arith.constant 0 : i32
    %dma_wait3A_78 = tpu.memref_slice %arg6[%dma_wait3A_71, %dma_wait3A_77] : memref<4x128xi32, #tpu.memory_space<vmem>> -> memref<1x128xi32, #tpu.memory_space<vmem>>
    %dma_wait3A_79 = tpu.memref_squeeze %dma_wait3A_78 : memref<1x128xi32, #tpu.memory_space<vmem>> -> memref<128xi32, #tpu.memory_space<vmem>>
    %dma_wait3A_80 = arith.constant 0 : i32
    %dma_wait3A_81 = arith.constant 0 : i32
    %dma_wait3A_82 = tpu.memref_slice %arg3[%dma_wait3A_80, %dma_wait3A_81] : memref<1000000x16xf32, #tpu.memory_space<hbm>> -> memref<1000000x16xf32, #tpu.memory_space<hbm>>
    tpu.wait_indirect_dma semaphore(%arg12 : memref<!tpu.dma_semaphore, #tpu.memory_space<semaphore_mem>>) src(%dma_wait3A_82 : memref<1000000x16xf32, #tpu.memory_space<hbm>>) dst(%dma_wait3A_76 : memref<128x16xf32, #tpu.memory_space<vmem>>)
    %dma_wait3A_83 = arith.constant 3 : i32
    %dma_wait3A_84 = arith.constant 3 : i32
    %dma_wait3A_85 = arith.constant 0 : i32
    %dma_wait3A_86 = arith.constant 0 : i32
    %dma_wait3A_87 = tpu.memref_slice %arg7[%dma_wait3A_84, %dma_wait3A_85, %dma_wait3A_86] : memref<4x128x16xf32, #tpu.memory_space<vmem>> -> memref<1x128x16xf32, #tpu.memory_space<vmem>>
    %dma_wait3A_88 = tpu.memref_squeeze %dma_wait3A_87 : memref<1x128x16xf32, #tpu.memory_space<vmem>> -> memref<128x16xf32, #tpu.memory_space<vmem>>
    %dma_wait3A_89 = arith.constant 0 : i32
    %dma_wait3A_90 = tpu.memref_slice %arg6[%dma_wait3A_83, %dma_wait3A_89] : memref<4x128xi32, #tpu.memory_space<vmem>> -> memref<1x128xi32, #tpu.memory_space<vmem>>
    %dma_wait3A_91 = tpu.memref_squeeze %dma_wait3A_90 : memref<1x128xi32, #tpu.memory_space<vmem>> -> memref<128xi32, #tpu.memory_space<vmem>>
    %dma_wait3A_92 = arith.constant 0 : i32
    %dma_wait3A_93 = arith.constant 0 : i32
    %dma_wait3A_94 = tpu.memref_slice %arg3[%dma_wait3A_92, %dma_wait3A_93] : memref<1000000x16xf32, #tpu.memory_space<hbm>> -> memref<1000000x16xf32, #tpu.memory_space<hbm>>
    tpu.wait_indirect_dma semaphore(%arg12 : memref<!tpu.dma_semaphore, #tpu.memory_space<semaphore_mem>>) src(%dma_wait3A_94 : memref<1000000x16xf32, #tpu.memory_space<hbm>>) dst(%dma_wait3A_88 : memref<128x16xf32, #tpu.memory_space<vmem>>)
    %broadcast_in_dim3A = arith.constant 0.000000e+00 : f32
    %broadcast_in_dim3A_95 = vector.broadcast %broadcast_in_dim3A : f32 to vector<16xf32>
    %broadcast_in_dim3A_96 = arith.constant 0.000000e+00 : f32
    %broadcast_in_dim3A_97 = vector.broadcast %broadcast_in_dim3A_96 : f32 to vector<16xf32>
    %broadcast_in_dim3A_98 = arith.constant 0.000000e+00 : f32
    %broadcast_in_dim3A_99 = vector.broadcast %broadcast_in_dim3A_98 : f32 to vector<16xf32>
    %broadcast_in_dim3A_100 = arith.constant 0.000000e+00 : f32
    %broadcast_in_dim3A_101 = vector.broadcast %broadcast_in_dim3A_100 : f32 to vector<16xf32>
    %scan3A = arith.constant 0 : i32
    %scan3A_102 = arith.constant 128 : i32
    %scan3A_103 = arith.addi %scan3A, %scan3A_102 : i32
    %scan3A_104 = arith.constant 1 : i32
    %scan3A_105:4 = scf.for %scan3A_115 = %scan3A to %scan3A_103 step %scan3A_104 iter_args(%scan3A_116 = %broadcast_in_dim3A_95, %scan3A_117 = %broadcast_in_dim3A_97, %scan3A_118 = %broadcast_in_dim3A_99, %scan3A_119 = %broadcast_in_dim3A_101) -> (vector<16xf32>, vector<16xf32>, vector<16xf32>, vector<16xf32>)  : i32 {
      %get3A = arith.constant 0 : i32
      %get3A_120 = arith.index_cast %get3A : i32 to index
      %get3A_121 = arith.index_cast %scan3A_115 : i32 to index
      %get3A_122 = arith.constant 0 : index
      %get3A_123 = tpu.vector_load %arg7[%get3A_120, %get3A_121, %get3A_122] {strides = array<i32>} : memref<4x128x16xf32, #tpu.memory_space<vmem>>, vector<1x1x16xf32>,
      %get3A_124 = vector.shape_cast %get3A_123 : vector<1x1x16xf32> to vector<16xf32>
      %add3A_125 = arith.addf %scan3A_116, %get3A_124 : vector<16xf32>
      %get3A_126 = arith.constant 1 : i32
      %get3A_127 = arith.index_cast %get3A_126 : i32 to index
      %get3A_128 = arith.index_cast %scan3A_115 : i32 to index
      %get3A_129 = arith.constant 0 : index
      %get3A_130 = tpu.vector_load %arg7[%get3A_127, %get3A_128, %get3A_129] {strides = array<i32>} : memref<4x128x16xf32, #tpu.memory_space<vmem>>, vector<1x1x16xf32>,
      %get3A_131 = vector.shape_cast %get3A_130 : vector<1x1x16xf32> to vector<16xf32>
      %add3A_132 = arith.addf %scan3A_117, %get3A_131 : vector<16xf32>
      %get3A_133 = arith.constant 2 : i32
      %get3A_134 = arith.index_cast %get3A_133 : i32 to index
      %get3A_135 = arith.index_cast %scan3A_115 : i32 to index
      %get3A_136 = arith.constant 0 : index
      %get3A_137 = tpu.vector_load %arg7[%get3A_134, %get3A_135, %get3A_136] {strides = array<i32>} : memref<4x128x16xf32, #tpu.memory_space<vmem>>, vector<1x1x16xf32>,
      %get3A_138 = vector.shape_cast %get3A_137 : vector<1x1x16xf32> to vector<16xf32>
      %add3A_139 = arith.addf %scan3A_118, %get3A_138 : vector<16xf32>
      %get3A_140 = arith.constant 3 : i32
      %get3A_141 = arith.index_cast %get3A_140 : i32 to index
      %get3A_142 = arith.index_cast %scan3A_115 : i32 to index
      %get3A_143 = arith.constant 0 : index
      %get3A_144 = tpu.vector_load %arg7[%get3A_141, %get3A_142, %get3A_143] {strides = array<i32>} : memref<4x128x16xf32, #tpu.memory_space<vmem>>, vector<1x1x16xf32>,
      %get3A_145 = vector.shape_cast %get3A_144 : vector<1x1x16xf32> to vector<16xf32>
      %add3A_146 = arith.addf %scan3A_119, %get3A_145 : vector<16xf32>
      scf.yield %add3A_125, %add3A_132, %add3A_139, %add3A_146 : vector<16xf32>, vector<16xf32>, vector<16xf32>, vector<16xf32>
    }
    %scan3A_106 = arith.constant 128 : i32
    %add3A_107 = arith.addf %scan3A_105#0, %scan3A_105#1 : vector<16xf32>
    %add3A_108 = arith.addf %scan3A_105#2, %scan3A_105#3 : vector<16xf32>
    %add3A_109 = arith.addf %add3A_107, %add3A_108 : vector<16xf32>
    %swap3A = arith.constant 0 : index
    %swap3A_110 = tpu.vector_load %arg8[%swap3A] {strides = array<i32>} : memref<16xf32, #tpu.memory_space<vmem>>, vector<16xf32>,
    %swap3A_111 = vector.shape_cast %swap3A_110 : vector<16xf32> to vector<16xf32>
    %swap3A_112 = vector.shape_cast %add3A_109 : vector<16xf32> to vector<16xf32>
    tpu.vector_store %arg8[%swap3A], %swap3A_112 {strides = array<i32>} : memref<16xf32, #tpu.memory_space<vmem>>, vector<16xf32>,
    "tpu.region"() ({
      %run_scoped3A = tpu.sem_alloc : memref<!tpu.dma_semaphore, #tpu.memory_space<semaphore_mem>>
      %dma_start3A_115 = arith.constant 0 : i32
      %dma_start3A_116 = tpu.memref_slice %arg11[%arg1, %dma_start3A_115] : memref<16x16xf32, #tpu.memory_space<vmem_shared>> -> memref<1x16xf32, #tpu.memory_space<vmem_shared>>
      %dma_start3A_117 = tpu.memref_squeeze %dma_start3A_116 : memref<1x16xf32, #tpu.memory_space<vmem_shared>> -> memref<16xf32, #tpu.memory_space<vmem_shared>>
      %dma_start3A_118 = arith.constant 0 : i32
      %dma_start3A_119 = tpu.memref_slice %arg11[%arg1, %dma_start3A_118] : memref<16x16xf32, #tpu.memory_space<vmem_shared>> -> memref<1x16xf32, #tpu.memory_space<vmem_shared>>
      %dma_start3A_120 = tpu.memref_squeeze %dma_start3A_119 : memref<1x16xf32, #tpu.memory_space<vmem_shared>> -> memref<16xf32, #tpu.memory_space<vmem_shared>>
      tpu.enqueue_dma source(%arg8 : memref<16xf32, #tpu.memory_space<vmem>>) target(%dma_start3A_120 : memref<16xf32, #tpu.memory_space<vmem_shared>>) target_semaphore(%run_scoped3A : memref<!tpu.dma_semaphore, #tpu.memory_space<semaphore_mem>>)
      %dma_wait3A_121 = arith.constant 0 : i32
      %dma_wait3A_122 = tpu.memref_slice %arg11[%arg1, %dma_wait3A_121] : memref<16x16xf32, #tpu.memory_space<vmem_shared>> -> memref<1x16xf32, #tpu.memory_space<vmem_shared>>
      %dma_wait3A_123 = tpu.memref_squeeze %dma_wait3A_122 : memref<1x16xf32, #tpu.memory_space<vmem_shared>> -> memref<16xf32, #tpu.memory_space<vmem_shared>>
      %dma_wait3A_124 = arith.constant 0 : i32
      %dma_wait3A_125 = tpu.memref_slice %arg11[%arg1, %dma_wait3A_124] : memref<16x16xf32, #tpu.memory_space<vmem_shared>> -> memref<1x16xf32, #tpu.memory_space<vmem_shared>>
      %dma_wait3A_126 = tpu.memref_squeeze %dma_wait3A_125 : memref<1x16xf32, #tpu.memory_space<vmem_shared>> -> memref<16xf32, #tpu.memory_space<vmem_shared>>
      tpu.wait_dma2 semaphore(%run_scoped3A : memref<!tpu.dma_semaphore, #tpu.memory_space<semaphore_mem>>) src(%arg8 : memref<16xf32, #tpu.memory_space<vmem>>) dst(%dma_wait3A_126 : memref<16xf32, #tpu.memory_space<vmem_shared>>)
      tpu.yield
    }) : () -> ()
    %barrier3A = arith.constant 0 : index
    tpu.barrier barrier_id(%barrier3A)
    %eq3A = arith.constant 0 : i32
    %eq3A_113 = arith.cmpi eq, %arg1, %eq3A : i32
    %convert_element_type3A = arith.extui %eq3A_113 : i1 to i32
    %cond3A = arith.constant 0 : i32
    %cond3A_114 = arith.cmpi ne, %convert_element_type3A, %cond3A : i32
    scf.if %cond3A_114 {
      "tpu.region"() ({
        %run_scoped3A = tpu.sem_alloc : memref<!tpu.dma_semaphore, #tpu.memory_space<semaphore_mem>>
        tpu.enqueue_dma source(%arg11 : memref<16x16xf32, #tpu.memory_space<vmem_shared>>) target(%arg9 : memref<16x16xf32, #tpu.memory_space<vmem>>) target_semaphore(%run_scoped3A : memref<!tpu.dma_semaphore, #tpu.memory_space<semaphore_mem>>)
        tpu.wait_dma2 semaphore(%run_scoped3A : memref<!tpu.dma_semaphore, #tpu.memory_space<semaphore_mem>>) src(%arg11 : memref<16x16xf32, #tpu.memory_space<vmem_shared>>) dst(%arg9 : memref<16x16xf32, #tpu.memory_space<vmem>>)
        tpu.yield
      }) : () -> ()
      "tpu.region"() ({
        %run_scoped3A = tpu.sem_alloc : memref<!tpu.dma_semaphore, #tpu.memory_space<semaphore_mem>>
        tpu.enqueue_dma source(%arg4 : memref<16xf32, #tpu.memory_space<hbm>>) target(%arg10 : memref<16xf32, #tpu.memory_space<vmem>>) target_semaphore(%run_scoped3A : memref<!tpu.dma_semaphore, #tpu.memory_space<semaphore_mem>>)
        tpu.wait_dma2 semaphore(%run_scoped3A : memref<!tpu.dma_semaphore, #tpu.memory_space<semaphore_mem>>) src(%arg4 : memref<16xf32, #tpu.memory_space<hbm>>) dst(%arg10 : memref<16xf32, #tpu.memory_space<vmem>>)
        tpu.yield
      }) : () -> ()
      %get3A = arith.constant 0 : i32
      %get3A_115 = arith.index_cast %get3A : i32 to index
      %get3A_116 = arith.constant 0 : index
      %get3A_117 = tpu.vector_load %arg9[%get3A_115, %get3A_116] {strides = array<i32>} : memref<16x16xf32, #tpu.memory_space<vmem>>, vector<1x16xf32>,
      %get3A_118 = vector.shape_cast %get3A_117 : vector<1x16xf32> to vector<16xf32>
      %get3A_119 = arith.constant 1 : i32
      %get3A_120 = arith.index_cast %get3A_119 : i32 to index
      %get3A_121 = arith.constant 0 : index
      %get3A_122 = tpu.vector_load %arg9[%get3A_120, %get3A_121] {strides = array<i32>} : memref<16x16xf32, #tpu.memory_space<vmem>>, vector<1x16xf32>,
      %get3A_123 = vector.shape_cast %get3A_122 : vector<1x16xf32> to vector<16xf32>
      %add3A_124 = arith.addf %get3A_118, %get3A_123 : vector<16xf32>
      %get3A_125 = arith.constant 2 : i32
      %get3A_126 = arith.index_cast %get3A_125 : i32 to index
      %get3A_127 = arith.constant 0 : index
      %get3A_128 = tpu.vector_load %arg9[%get3A_126, %get3A_127] {strides = array<i32>} : memref<16x16xf32, #tpu.memory_space<vmem>>, vector<1x16xf32>,
      %get3A_129 = vector.shape_cast %get3A_128 : vector<1x16xf32> to vector<16xf32>
      %add3A_130 = arith.addf %add3A_124, %get3A_129 : vector<16xf32>
      %get3A_131 = arith.constant 3 : i32
      %get3A_132 = arith.index_cast %get3A_131 : i32 to index
      %get3A_133 = arith.constant 0 : index
      %get3A_134 = tpu.vector_load %arg9[%get3A_132, %get3A_133] {strides = array<i32>} : memref<16x16xf32, #tpu.memory_space<vmem>>, vector<1x16xf32>,
      %get3A_135 = vector.shape_cast %get3A_134 : vector<1x16xf32> to vector<16xf32>
      %add3A_136 = arith.addf %add3A_130, %get3A_135 : vector<16xf32>
      %get3A_137 = arith.constant 4 : i32
      %get3A_138 = arith.index_cast %get3A_137 : i32 to index
      %get3A_139 = arith.constant 0 : index
      %get3A_140 = tpu.vector_load %arg9[%get3A_138, %get3A_139] {strides = array<i32>} : memref<16x16xf32, #tpu.memory_space<vmem>>, vector<1x16xf32>,
      %get3A_141 = vector.shape_cast %get3A_140 : vector<1x16xf32> to vector<16xf32>
      %add3A_142 = arith.addf %add3A_136, %get3A_141 : vector<16xf32>
      %get3A_143 = arith.constant 5 : i32
      %get3A_144 = arith.index_cast %get3A_143 : i32 to index
      %get3A_145 = arith.constant 0 : index
      %get3A_146 = tpu.vector_load %arg9[%get3A_144, %get3A_145] {strides = array<i32>} : memref<16x16xf32, #tpu.memory_space<vmem>>, vector<1x16xf32>,
      %get3A_147 = vector.shape_cast %get3A_146 : vector<1x16xf32> to vector<16xf32>
      %add3A_148 = arith.addf %add3A_142, %get3A_147 : vector<16xf32>
      %get3A_149 = arith.constant 6 : i32
      %get3A_150 = arith.index_cast %get3A_149 : i32 to index
      %get3A_151 = arith.constant 0 : index
      %get3A_152 = tpu.vector_load %arg9[%get3A_150, %get3A_151] {strides = array<i32>} : memref<16x16xf32, #tpu.memory_space<vmem>>, vector<1x16xf32>,
      %get3A_153 = vector.shape_cast %get3A_152 : vector<1x16xf32> to vector<16xf32>
      %add3A_154 = arith.addf %add3A_148, %get3A_153 : vector<16xf32>
      %get3A_155 = arith.constant 7 : i32
      %get3A_156 = arith.index_cast %get3A_155 : i32 to index
      %get3A_157 = arith.constant 0 : index
      %get3A_158 = tpu.vector_load %arg9[%get3A_156, %get3A_157] {strides = array<i32>} : memref<16x16xf32, #tpu.memory_space<vmem>>, vector<1x16xf32>,
      %get3A_159 = vector.shape_cast %get3A_158 : vector<1x16xf32> to vector<16xf32>
      %add3A_160 = arith.addf %add3A_154, %get3A_159 : vector<16xf32>
      %get3A_161 = arith.constant 8 : i32
      %get3A_162 = arith.index_cast %get3A_161 : i32 to index
      %get3A_163 = arith.constant 0 : index
      %get3A_164 = tpu.vector_load %arg9[%get3A_162, %get3A_163] {strides = array<i32>} : memref<16x16xf32, #tpu.memory_space<vmem>>, vector<1x16xf32>,
      %get3A_165 = vector.shape_cast %get3A_164 : vector<1x16xf32> to vector<16xf32>
      %add3A_166 = arith.addf %add3A_160, %get3A_165 : vector<16xf32>
      %get3A_167 = arith.constant 9 : i32
      %get3A_168 = arith.index_cast %get3A_167 : i32 to index
      %get3A_169 = arith.constant 0 : index
      %get3A_170 = tpu.vector_load %arg9[%get3A_168, %get3A_169] {strides = array<i32>} : memref<16x16xf32, #tpu.memory_space<vmem>>, vector<1x16xf32>,
      %get3A_171 = vector.shape_cast %get3A_170 : vector<1x16xf32> to vector<16xf32>
      %add3A_172 = arith.addf %add3A_166, %get3A_171 : vector<16xf32>
      %get3A_173 = arith.constant 10 : i32
      %get3A_174 = arith.index_cast %get3A_173 : i32 to index
      %get3A_175 = arith.constant 0 : index
      %get3A_176 = tpu.vector_load %arg9[%get3A_174, %get3A_175] {strides = array<i32>} : memref<16x16xf32, #tpu.memory_space<vmem>>, vector<1x16xf32>,
      %get3A_177 = vector.shape_cast %get3A_176 : vector<1x16xf32> to vector<16xf32>
      %add3A_178 = arith.addf %add3A_172, %get3A_177 : vector<16xf32>
      %get3A_179 = arith.constant 11 : i32
      %get3A_180 = arith.index_cast %get3A_179 : i32 to index
      %get3A_181 = arith.constant 0 : index
      %get3A_182 = tpu.vector_load %arg9[%get3A_180, %get3A_181] {strides = array<i32>} : memref<16x16xf32, #tpu.memory_space<vmem>>, vector<1x16xf32>,
      %get3A_183 = vector.shape_cast %get3A_182 : vector<1x16xf32> to vector<16xf32>
      %add3A_184 = arith.addf %add3A_178, %get3A_183 : vector<16xf32>
      %get3A_185 = arith.constant 12 : i32
      %get3A_186 = arith.index_cast %get3A_185 : i32 to index
      %get3A_187 = arith.constant 0 : index
      %get3A_188 = tpu.vector_load %arg9[%get3A_186, %get3A_187] {strides = array<i32>} : memref<16x16xf32, #tpu.memory_space<vmem>>, vector<1x16xf32>,
      %get3A_189 = vector.shape_cast %get3A_188 : vector<1x16xf32> to vector<16xf32>
      %add3A_190 = arith.addf %add3A_184, %get3A_189 : vector<16xf32>
      %get3A_191 = arith.constant 13 : i32
      %get3A_192 = arith.index_cast %get3A_191 : i32 to index
      %get3A_193 = arith.constant 0 : index
      %get3A_194 = tpu.vector_load %arg9[%get3A_192, %get3A_193] {strides = array<i32>} : memref<16x16xf32, #tpu.memory_space<vmem>>, vector<1x16xf32>,
      %get3A_195 = vector.shape_cast %get3A_194 : vector<1x16xf32> to vector<16xf32>
      %add3A_196 = arith.addf %add3A_190, %get3A_195 : vector<16xf32>
      %get3A_197 = arith.constant 14 : i32
      %get3A_198 = arith.index_cast %get3A_197 : i32 to index
      %get3A_199 = arith.constant 0 : index
      %get3A_200 = tpu.vector_load %arg9[%get3A_198, %get3A_199] {strides = array<i32>} : memref<16x16xf32, #tpu.memory_space<vmem>>, vector<1x16xf32>,
      %get3A_201 = vector.shape_cast %get3A_200 : vector<1x16xf32> to vector<16xf32>
      %add3A_202 = arith.addf %add3A_196, %get3A_201 : vector<16xf32>
      %get3A_203 = arith.constant 15 : i32
      %get3A_204 = arith.index_cast %get3A_203 : i32 to index
      %get3A_205 = arith.constant 0 : index
      %get3A_206 = tpu.vector_load %arg9[%get3A_204, %get3A_205] {strides = array<i32>} : memref<16x16xf32, #tpu.memory_space<vmem>>, vector<1x16xf32>,
      %get3A_207 = vector.shape_cast %get3A_206 : vector<1x16xf32> to vector<16xf32>
      %add3A_208 = arith.addf %add3A_202, %get3A_207 : vector<16xf32>
      %eq3A_209 = arith.constant 0 : i32
      %eq3A_210 = arith.cmpi eq, %arg0, %eq3A_209 : i32
      %convert_element_type3A_211 = arith.extui %eq3A_210 : i1 to i32
      %cond3A_212 = arith.constant 0 : i32
      %cond3A_213 = arith.cmpi ne, %convert_element_type3A_211, %cond3A_212 : i32
      scf.if %cond3A_213 {
        %get3A_218 = arith.constant 0 : index
        %get3A_219 = tpu.vector_load %arg10[%get3A_218] {strides = array<i32>} : memref<16xf32, #tpu.memory_space<vmem>>, vector<16xf32>,
        %get3A_220 = vector.shape_cast %get3A_219 : vector<16xf32> to vector<16xf32>
        %add3A_221 = arith.addf %add3A_208, %get3A_220 : vector<16xf32>
        %swap3A_222 = arith.constant 0 : index
        %swap3A_223 = tpu.vector_load %arg8[%swap3A_222] {strides = array<i32>} : memref<16xf32, #tpu.memory_space<vmem>>, vector<16xf32>,
        %swap3A_224 = vector.shape_cast %swap3A_223 : vector<16xf32> to vector<16xf32>
        %swap3A_225 = vector.shape_cast %add3A_221 : vector<16xf32> to vector<16xf32>
        tpu.vector_store %arg8[%swap3A_222], %swap3A_225 {strides = array<i32>} : memref<16xf32, #tpu.memory_space<vmem>>, vector<16xf32>,
      } else {
      }
      %ne3A = arith.constant 0 : i32
      %ne3A_214 = arith.cmpi ne, %arg0, %ne3A : i32
      %convert_element_type3A_215 = arith.extui %ne3A_214 : i1 to i32
      %cond3A_216 = arith.constant 0 : i32
      %cond3A_217 = arith.cmpi ne, %convert_element_type3A_215, %cond3A_216 : i32
      scf.if %cond3A_217 {
        %swap3A_218 = arith.constant 0 : index
        %swap3A_219 = tpu.vector_load %arg8[%swap3A_218] {strides = array<i32>} : memref<16xf32, #tpu.memory_space<vmem>>, vector<16xf32>,
        %swap3A_220 = vector.shape_cast %swap3A_219 : vector<16xf32> to vector<16xf32>
        %swap3A_221 = vector.shape_cast %add3A_208 : vector<16xf32> to vector<16xf32>
        tpu.vector_store %arg8[%swap3A_218], %swap3A_221 {strides = array<i32>} : memref<16xf32, #tpu.memory_space<vmem>>, vector<16xf32>,
      } else {
      }
      "tpu.region"() ({
        %run_scoped3A = tpu.sem_alloc : memref<!tpu.dma_semaphore, #tpu.memory_space<semaphore_mem>>
        %dma_start3A_218 = arith.constant 0 : i32
        %dma_start3A_219 = tpu.memref_slice %arg5[%arg0, %dma_start3A_218] : memref<2x16xf32, #tpu.memory_space<hbm>> -> memref<1x16xf32, #tpu.memory_space<hbm>>
        %dma_start3A_220 = tpu.memref_squeeze %dma_start3A_219 : memref<1x16xf32, #tpu.memory_space<hbm>> -> memref<16xf32, #tpu.memory_space<hbm>>
        %dma_start3A_221 = arith.constant 0 : i32
        %dma_start3A_222 = tpu.memref_slice %arg5[%arg0, %dma_start3A_221] : memref<2x16xf32, #tpu.memory_space<hbm>> -> memref<1x16xf32, #tpu.memory_space<hbm>>
        %dma_start3A_223 = tpu.memref_squeeze %dma_start3A_222 : memref<1x16xf32, #tpu.memory_space<hbm>> -> memref<16xf32, #tpu.memory_space<hbm>>
        tpu.enqueue_dma source(%arg8 : memref<16xf32, #tpu.memory_space<vmem>>) target(%dma_start3A_223 : memref<16xf32, #tpu.memory_space<hbm>>) target_semaphore(%run_scoped3A : memref<!tpu.dma_semaphore, #tpu.memory_space<semaphore_mem>>)
        %dma_wait3A_224 = arith.constant 0 : i32
        %dma_wait3A_225 = tpu.memref_slice %arg5[%arg0, %dma_wait3A_224] : memref<2x16xf32, #tpu.memory_space<hbm>> -> memref<1x16xf32, #tpu.memory_space<hbm>>
        %dma_wait3A_226 = tpu.memref_squeeze %dma_wait3A_225 : memref<1x16xf32, #tpu.memory_space<hbm>> -> memref<16xf32, #tpu.memory_space<hbm>>
        %dma_wait3A_227 = arith.constant 0 : i32
        %dma_wait3A_228 = tpu.memref_slice %arg5[%arg0, %dma_wait3A_227] : memref<2x16xf32, #tpu.memory_space<hbm>> -> memref<1x16xf32, #tpu.memory_space<hbm>>
        %dma_wait3A_229 = tpu.memref_squeeze %dma_wait3A_228 : memref<1x16xf32, #tpu.memory_space<hbm>> -> memref<16xf32, #tpu.memory_space<hbm>>
        tpu.wait_dma2 semaphore(%run_scoped3A : memref<!tpu.dma_semaphore, #tpu.memory_space<semaphore_mem>>) src(%arg8 : memref<16xf32, #tpu.memory_space<vmem>>) dst(%dma_wait3A_229 : memref<16xf32, #tpu.memory_space<hbm>>)
        tpu.yield
      }) : () -> ()
    } else {
    }
    return
  }
}

</mosaic_0001>

<sc_bundles>
// kernel: kernel.3.cloned.1.call-start
scs
__scs_entry_jumppad:
0x0: {  	(pc) =	sbr.rel $0x88, $3  }
0x1: {  	(tag) =	ssettag $0x0;
	lr =	simm.s32 $0x1  }
0x2: {  	[smem:$0x3F9E] =	sst lr;
	_ =	strace $0xD0000000  }
0x3: {  	_ = 	snop  }
0x4: {  	_ = 	snop  }
0x5: {  	_ = 	snop  }
0x6: {  	_ = 	snop  }
0x7: {  	_ = 	snop  }
__scs_overlays_trampoline_lowered:
0x8: {  	[smem:$0x3FAD] =	sst s0  }
0x9: {  	[smem:$0x3FAE] =	sst s1  }
0xa: {  	[smem:$0x3FAF] =	sst s2  }
0xb: {  	[smem:$0x3FB0] =	sst s3  }
0xc: {  	[smem:$0x3FB1] =	sst s4  }
0xd: {  	[smem:$0x3FB2] =	sst s5  }
0xe: {  	[smem:$0x3FB3] =	sst s6  }
0xf: {  	[smem:$0x3FB4] =	sst s7  }
0x10: {  	[smem:$0x3FB5] =	sst s8  }
0x11: {  	[smem:$0x3FB6] =	sst s9;
	s0 =	simm.s32 @!p0 $0x0  }
0x12: {  	s1 =	sld [smem:$0x3F9C];
	s0 =	simm.s32 @p0 $0x1  }
0x13: {  	[smem:$0x3FB7] =	sst s0;
	s0 =	simm.s32 @!p1 $0x0  }
0x14: {  	s2 =	sld [smem:$0x3F9B];
	s0 =	simm.s32 @p1 $0x1  }
0x15: {  	[smem:$0x3FB8] =	sst s0;
	s0 =	simm.s32 @!p2 $0x0  }
0x16: {  	s3 =	sld [smem:$0x3FDB];
	s0 =	simm.s32 @p2 $0x1  }
0x17: {  	s4 =	simm.s32 $0x1BF5;
	[smem:$0x3FBA] =	sst s0  }
0x18: {  	s0 =	sld [smem:$0x3F9D];
	_ =	swait.ge [sflag:s4], $0x0  }
0x19: {  	s7 =	sld [smem:$0x3F9E]  }
0x1a: {  	s8 =	sadd.s32 $0xFFFFE003, lr  }
0x1b: {  	s9 =	sadd.s32 $0xFFFFFEF7, lr;
	s5 =	simm.s32 $0xFFFFFFFF;
	p2 =	slt.u32 s8, $0xFFFFF086  }
0x1c: {  	p1 =	slt.u32 s9, $0xF7A;
	s5 =	simm.s32 @!p2 $0x0  }
0x1d: {  	s5 =	simm.s32 @p1 $0x1;
	p0 =	seq.s32 s7, s2  }
0x1e: {  	s7 =	smul.u32 @!p0 $0xF7A, s2;
	p2 =	seq.s32 @!p0 s5, $0x0  }
0x1f: {  	s9 =	smul.u32 $0xF7A, s1;
	s8 =	simm.s32 @!p0 $0x1BF5;
	p2 =	por !p2, p0  }
0x20: {  	[sflag:s8] =	ssyncset.s32 @!p0 $0xFFFFF086;
	s6 =	sadd.s32 @!p0 s3, s7;
	s7 =	simm.s32 @!p0 $0x108  }
0x21: {  	s3 =	sadd.s32 s3, s9;
	s6 =	sadd.s32 @!p0 $0x88, s6;
	s7 =	simm.s32 @p2 $0x1082  }
0x22: {  	[simem:s7], [sflag:s8] =	dma.local @!p0 [hbm:s6], $0xF7A  }
0x23: {  	s9 =	sor.u32 $0xD0000000, s2;
	s6 =	simm.s32 $0x108;
	_ =	swait.ge @!p0 [sflag:s8], $0x0  }
0x24: {  	s3 =	sadd.s32 $0x88, s3;
	s6 =	simm.s32 @!p1 $0x1082;
	[sflag:s4] =	ssyncset.s32 $0xFFFFF086  }
0x25: {  	[simem:s6], [sflag:s4] =	dma.local [hbm:s3], $0xF7A  }
0x26: {  	[smem:$0x3F9E] =	sst s1;
	(tag) =	ssettag s2;
	_ =	strace s9  }
0x27: {  	s1 =	sld [smem:$0x3FAE]  }
0x28: {  	s2 =	sld [smem:$0x3FAF]  }
0x29: {  	s4 =	sld [smem:$0x3FB1]  }
0x2a: {  	p0 =	seq.s32 s5, $0x0;
	s5 =	sld [smem:$0x3FB2]  }
0x2b: {  	s6 =	sld [smem:$0x3FB3]  }
0x2c: {  	s7 =	sld [smem:$0x3FB4]  }
0x2d: {  	s3 =	simm.s32 $0x108;
	s8 =	sld [smem:$0x3FB5]  }
0x2e: {  	s3 =	simm.s32 @!p0 $0x1082;
	s9 =	sld [smem:$0x3FB6]  }
0x2f: {  	lr =	sadd.s32 s0, s3;
	s0 =	sld [smem:$0x3FAD]  }
0x30: {  	s3 =	sld [smem:$0x3FB0]  }
0x31: {  	[smem:$0x3FB9] =	sst s10  }
0x32: {  	s10 =	sld [smem:$0x3FB7];
	_ =	sdelay $0x3  }
0x33: {  	p0 =	seq.s32 s10, $0x1;
	s10 =	sld [smem:$0x3FB9];
	_ =	sdelay $0x3  }
0x34: {  	[smem:$0x3FB9] =	sst s10  }
0x35: {  	s10 =	sld [smem:$0x3FB8];
	_ =	sdelay $0x3  }
0x36: {  	p1 =	seq.s32 s10, $0x1;
	s10 =	sld [smem:$0x3FB9];
	_ =	sdelay $0x3  }
0x37: {  	[smem:$0x3FB9] =	sst s10  }
0x38: {  	s10 =	sld [smem:$0x3FBA]  }
0x39: {  	_ = 	snop;
	(pc) =	sbr.ind lr, $3  }
0x3a: {  	_ = 	snop  }
0x3b: {  	_ = 	snop  }
0x3c: {  	p2 =	seq.s32 s10, $0x1;
	s10 =	sld [smem:$0x3FB9]  }
0x3d: {  	_ =	shalt  }
0x3e: {  	_ =	shalt  }
0x3f: {  	_ =	shalt  }
0x40: {  	_ =	shalt  }
0x41: {  	_ =	shalt  }
0x42: {  	_ =	shalt  }
0x43: {  	_ =	shalt  }
0x44: {  	_ =	shalt  }
0x45: {  	_ =	shalt  }
0x46: {  	_ =	shalt  }
0x47: {  	_ =	shalt  }
0x48: {  	_ =	shalt  }
0x49: {  	_ =	shalt  }
0x4a: {  	_ =	shalt  }
0x4b: {  	_ =	shalt  }
0x4c: {  	_ =	shalt  }
0x4d: {  	_ =	shalt  }
0x4e: {  	_ =	shalt  }
0x4f: {  	_ =	shalt  }
0x50: {  	_ =	shalt  }
0x51: {  	_ =	shalt  }
0x52: {  	_ =	shalt  }
0x53: {  	_ =	shalt  }
0x54: {  	_ =	shalt  }
0x55: {  	_ =	shalt  }
0x56: {  	_ =	shalt  }
0x57: {  	_ =	shalt  }
0x58: {  	_ =	shalt  }
0x59: {  	_ =	shalt  }
0x5a: {  	_ =	shalt  }
0x5b: {  	_ =	shalt  }
0x5c: {  	_ =	shalt  }
0x5d: {  	_ =	shalt  }
0x5e: {  	_ =	shalt  }
0x5f: {  	_ =	shalt  }
0x60: {  	_ =	shalt  }
0x61: {  	_ =	shalt  }
0x62: {  	_ =	shalt  }
0x63: {  	_ =	shalt  }
0x64: {  	_ =	shalt  }
0x65: {  	_ =	shalt  }
0x66: {  	_ =	shalt  }
0x67: {  	_ =	shalt  }
0x68: {  	_ =	shalt  }
0x69: {  	_ =	shalt  }
0x6a: {  	_ =	shalt  }
0x6b: {  	_ =	shalt  }
0x6c: {  	_ =	shalt  }
0x6d: {  	_ =	shalt  }
0x6e: {  	_ =	shalt  }
0x6f: {  	_ =	shalt  }
0x70: {  	_ =	shalt  }
0x71: {  	_ =	shalt  }
0x72: {  	_ =	shalt  }
0x73: {  	_ =	shalt  }
0x74: {  	_ =	shalt  }
0x75: {  	_ =	shalt  }
0x76: {  	_ =	shalt  }
0x77: {  	_ =	shalt  }
0x78: {  	_ =	shalt  }
0x79: {  	_ =	shalt  }
0x7a: {  	_ =	shalt  }
0x7b: {  	_ =	shalt  }
0x7c: {  	_ =	shalt  }
0x7d: {  	_ =	shalt  }
0x7e: {  	_ =	shalt  }
0x7f: {  	_ =	shalt  }
0x80: {  	_ =	shalt  }
0x81: {  	_ =	shalt  }
0x82: {  	_ =	shalt  }
0x83: {  	_ =	shalt  }
0x84: {  	_ =	shalt  }
0x85: {  	_ =	shalt  }
0x86: {  	_ =	shalt  }
0x87: {  	_ =	shalt  }
.Lfunc_end0:
.L_simem_size_0:
called_computation_lowered:
.L_overlay_start_0:
0x88: {  	s2 =	sld [smem:$0x3FD9]  }
0x89: {  	s3 =	sld [smem:$0x3FFE];
	_ =	sdelay $0x1  }
0x8a: {  	s1 =	srdreg.scid  }
0x8b: {  	s0 =	sand.u32 $0x1, s1  }
0x8c: {  	s17 =	sshll.u32 s0, $0xA;
	s2 =	sadd.s32 s3, s2  }
0x8d: {  	s2 =	sadd.s32 s2, s17  }
0x8e: {  	[smem:$0x3FC5] =	sst s2  }
0x8f: {  	_ = 	snop  }
0x90: {  	s2 =	sld [smem:$0x3FC9]  }
0x91: {  	s18 =	sld [smem:$0x3FC7]  }
0x92: {  	s4 =	sld [smem:$0x3FD0];
	(tm) =	ssettm $0x1  }
0x93: {  	s5 =	sld [smem:$0x3FFB];
	_ =	sdelay $0x3  }
0x94: {  	_ =	strace s5  }
0x95: {  	s5 =	sld [smem:$0x3FFC];
	_ =	sdelay $0x3  }
0x96: {  	_ =	strace s5  }
0x97: {  	s5 =	sld [smem:$0x3FFD];
	_ =	sdelay $0x3  }
0x98: {  	_ =	strace s5  }
0x99: {  	_ =	strace $0x8FFFFFFF  }
0x9a: {  	s19 =	sld [smem:$0x3FDB];
	_ =	sdelay $0x1  }
0x9b: {  	s6 =	simm.s32 $_scs_section_size  }
0x9c: {  	s7 =	simm.s32 $_size__tile_overlayer_lowered;
	s8 =	simm.s32 $_tile_overlayer_lowered  }
0x9d: {  	s22 =	simm.s32 $0x1BFF;
	s21 =	sshll.u32 s8, $0x1;
	s5 =	sadd.s32 s6, s19  }
0x9e: {  	s9 =	simm.s32 $0x0;
	s20 =	sshll.u32 s7, $0x1;
	s7 =	sadd.s32 s21, s5  }
0x9f: {  	[timem:s9], [sflag:s22] =	dma.local [hbm:s7], s20  }
0xa0: {  	_ =	swait.ge [sflag:s22], s20  }
0xa1: {  	s6 =	ssub.s32 $0x0, s20;
	[sflag:s22] =	ssyncset.done $0x0  }
0xa2: {  	[sflag:s22] =	ssyncadd.s32 s6;
	_ =	sdelay $0x1  }
0xa3: {  	s23 =	simm.s32 $0x1B8B  }
0xa4: {  	_ =	swait.ge [sflag:s23], $0x1  }
0xa5: {  	[sflag:s23] =	ssyncset.done $0x0  }
0xa6: {  	s25 =	simm.s32 $0x1B8E;
	s24 =	sld [smem:$0x3FFE];
	[sflag:s23] =	ssyncadd.s32 $0xFFFFFFFF  }
0xa7: {  	s26 =	simm.s32 $execute0_lowered;
	[smem:$0x3FD2] =	sst s25  }
0xa8: {  	s7 =	sshll.u32 s26, $0x1;
	_ =	strace $0x80000046;
	[dreg:$0x1] =	wrdreg $0xFFFFFFFF  }
0xa9: {  	s28 =	simm.s32 $_size_execute0_lowered;
	s5 =	sadd.s32 s5, s7;
	[dreg:$0x0] =	wrdreg $0x0  }
0xaa: {  	s7 =	sshll.u32 s28, $0x1;
	[dreg:$0x2] =	wrdreg s5  }
0xab: {  	[dreg:$0x3] =	wrdreg s7  }
0xac: {  	[dreg:$0x4] =	wrdreg $0xC0  }
0xad: {  	_ =	task [dreg:s9], $0x5FFFF  }
0xae: {  	[dreg:$0x1] =	wrdreg $0xFFFFFFFF  }
0xaf: {  	[dreg:$0x0] =	wrdreg $0x60  }
0xb0: {  	[dreg:$0x2] =	wrdreg s2  }
0xb1: {  	[dreg:$0x3] =	wrdreg s24  }
0xb2: {  	[dreg:$0x4] =	wrdreg s18  }
0xb3: {  	[dreg:$0x5] =	wrdreg s4  }
0xb4: {  	[dreg:$0x6] =	wrdreg $0x23200  }
0xb5: {  	[dreg:$0x7] =	wrdreg $0x9  }
0xb6: {  	_ =	task.clear_ibuf [dreg:s9], $0x8FFFF;
	_ =	strace $0x90000046  }
0xb7: {  	s29 =	simm.s32 $0x9;
	_ =	strace $0x80000048  }
0xb8: {  	_ =	swait.ge [sflag:s29], $0x1  }
0xb9: {  	[sflag:s29] =	ssyncadd.s32 $0xFFFFFFFF  }
0xba: {  	_ =	strace $0x90000048  }
0xbb: {  	_ =	sfence  }
0xbc: {  	s30 =	sld [smem:$0x0];
	_ =	sdelay $0x2  }
0xbd: {  	s31 =	sshll.u32 s1, $0xD;
	s1 =	sshrl.u32 s1, $0x2  }
0xbe: {  	s3 =	sand.u32 $0x4000, s31;
	s1 =	sadd.s32 s1, s30  }
0xbf: {  	s0 =	sor.u32 s3, s0;
	s1 =	sshll.u32 s1, $0x11  }
0xc0: {  	s0 =	sor.u32 s1, s0  }
0xc1: {  	s0 =	sadd.s32 $0x8F2B, s0  }
0xc2: {  	[sflag:s0] =	ssyncadd.remote.s32 $0x1  }
0xc3: {  	_ =	sfence.sel $0xFFFF  }
0xc4: {  	[dreg:$0x0] =	wrdreg $0xFFFFFFFF;
	(pc) =	sbr.abs _section_cstart, $3  }
0xc5: {  	[dreg:$0x1] =	wrdreg $0xFFFFFFFF  }
0xc6: {  	_ =	task.clear_ibuf [dreg:s9], $0x2FFFF;
	_ =	strace $0x9FFFFFFF  }
0xc7: {  	(tm) =	ssettm $0x7FFFFFFF  }
tec
execute0_lowered:
.L_overlay_start_1:
0x0: {  	(tag) =	ssettag $0x1  }
0x1: {  	s5 =	rddreg [dreg:$0x0]  }
0x2: {  	s4 =	rddreg [dreg:$0x1]  }
0x3: {  	s1 =	rddreg [dreg:$0x2]  }
0x4: {  	s7 =	rddreg [dreg:$0x3]  }
0x5: {  	s2 =	rddreg [dreg:$0x4]  }
0x6: {  	s0 =	rddreg [dreg:$0x5];
	s3 =	simm.s32 $0x0  }
0x7: {  	s6 =	srdreg.scid;
	s17 =	stileid.u32;
	s10 =	simm.s32 $0x80  }
0x8: {  	s11 =	simm.s32 $0x200;
	s12 =	simm.s32 $0xA00;
	s13 =	simm.s32 $0x100  }
0x9: {  	s14 =	simm.s32 $0x1200;
	s15 =	simm.s32 $0x180;
	s16 =	simm.s32 $0x1A00  }
0xa: {  	s18 =	simm.s32 $0x2200;
	[smem:$0x7FF] =	sst s3;
	s19 =	sand.u32 $0x1, s6  }
0xb: {  	s4 =	sadd.s32 $0xF42800, s4;
	s29 =	sshll.u32 s17, $0x7;
	s30 =	sshll.u32 s17, $0x4  }
0xc: {  	p0 =	sne.s32 s17, $0x0;
	s17 =	simm.s32 $0x1;
	_ =	strace $0x80000047  }
0xd: {  	s6 =	ssub.s32 $0x2, s19;
	s9 =	sshll.u32 s19, $0x6;
	s31 =	sshll.u32 s19, $0x1  }
0xe: {  	p2 =	sne.s32 @!p0 s19, $0x0;
	s19 =	simm.s32 $0x0;
	s8 =	sshrl.u32 s6, $0x1  }
0xf: {  	s5 =	sadd.s32 s5, s9;
	s7 =	sadd.s32 s7, s31;
	s9 =	simm.s32 $0x2  }
0x10: {  	p1 =	por p2, p0;
	p2 =	por !p2, p0;
	s8 =	ssub.s32 s6, s8  }
0x11: {  	s5 =	sadd.s32 s29, s5;
	s6 =	sadd.s32 s30, s2;
	s8 =	smax.u32 s8, $0x1  }
.LBB2_1:
0x12: {  	[tilespmem:s3], [sflag:$0x2] =	stream.linear.gather [hbm4b:s5+s3], $0x200, $0x38;
	[tilespmem:$0x2330] =	vst v63  }
0x13: {  	_ =	swait.ge [sflag:s9], $0x200  }
0x14: {  	[sflag:s9] =	ssyncset.done $0x0  }
0x15: {  	[sflag:s9] =	ssyncadd.s32 $0xFFFFFE00  }
0x16: {  	[tilespmem:s11], [sflag:$0x1] =	stream.indirect.gather [hbm4b:s4+s10], $0x10, s3, s10, $0xb8;
	[tilespmem:$0x2330] =	vst v63  }
0x17: {  	_ = 	snop  }
0x18: {  	[tilespmem:s12], [sflag:$0x1] =	stream.indirect.gather [hbm4b:s4+s10], $0x10, s10, s10, $0xb8;
	[tilespmem:$0x2330] =	vst v63  }
0x19: {  	_ = 	snop  }
0x1a: {  	[tilespmem:s14], [sflag:$0x1] =	stream.indirect.gather [hbm4b:s4+s10], $0x10, s13, s10, $0xb8;
	[tilespmem:$0x2330] =	vst v63  }
0x1b: {  	_ = 	snop  }
0x1c: {  	[tilespmem:s16], [sflag:$0x1] =	stream.indirect.gather [hbm4b:s4+s10], $0x10, s15, s10, $0xb8;
	[tilespmem:$0x2330] =	vst v63  }
0x1d: {  	_ =	swait.ge [sflag:s17], $0x800  }
0x1e: {  	[sflag:s17] =	ssyncset.done $0x0  }
0x1f: {  	[sflag:s17] =	ssyncadd.s32 $0xFFFFF800  }
0x20: {  	_ =	swait.ge [sflag:s17], $0x800  }
0x21: {  	[sflag:s17] =	ssyncset.done $0x0  }
0x22: {  	[sflag:s17] =	ssyncadd.s32 $0xFFFFF800  }
0x23: {  	_ =	swait.ge [sflag:s17], $0x800  }
0x24: {  	[sflag:s17] =	ssyncset.done $0x0  }
0x25: {  	[sflag:s17] =	ssyncadd.s32 $0xFFFFF800  }
0x26: {  	_ =	swait.ge [sflag:s17], $0x800  }
0x27: {  	[sflag:s17] =	ssyncset.done $0x0  }
0x28: {  	s21 =	simm.s32 $0x0;
	[sflag:s17] =	ssyncadd.s32 $0xFFFFF800  }
0x29: {  	v1 =	vld [tilespmem:s21+$0x1A00]  }
0x2a: {  	v2 =	vld [tilespmem:s21+$0x200]  }
0x2b: {  	v0 =	vimm.f32 $0.0e+00;
	v3 =	vld [tilespmem:s21+$0xA00]  }
0x2c: {  	s20 =	simm.s32 $0x40;
	v5 =	vimm.f32 $0.0e+00;
	v6 =	vimm.f32 $0.0e+00;
	v7 =	vimm.f32 $0.0e+00;
	v4 =	vld [tilespmem:s21+$0x1200]  }
.LBB2_2:
0x2d: {  	p3 =	sne.s32 s20, $0x1FC0  }
.Ltmp0:
0x2e: {  	s21 =	sshra.s32 s20, $0x2;
	s20 =	sadd.s32 $0x40, s20;
	v0 =	vadd.f32 v1, v0;
	(pc) =	sbr.rel @p3 .LBB2_2-.Ltmp0, $4  }
0x2f: {  	v1 =	vld [tilespmem:s21+$0x1A00];
	v5 =	vadd.f32 v2, v5  }
0x30: {  	v2 =	vld [tilespmem:s21+$0x200];
	v6 =	vadd.f32 v3, v6  }
0x31: {  	v3 =	vld [tilespmem:s21+$0xA00];
	v7 =	vadd.f32 v4, v7  }
0x32: {  	v4 =	vld [tilespmem:s21+$0x1200]  }
0x33: {  	_ =	sdelay $0x2  }
0x34: {  	v0 =	vadd.f32 v1, v0;
	v61 =	vadd.f32 v2, v5  }
0x35: {  	v62 =	vadd.f32 v3, v6;
	v63 =	vadd.f32 v4, v7;
	_ =	sdelay $0x1  }
0x36: {  	v1 =	vadd.f32 v62, v61;
	v0 =	vadd.f32 v0, v63;
	_ =	sdelay $0x1  }
0x37: {  	v0 =	vadd.f32 v0, v1;
	_ =	sdelay $0x1  }
0x38: {  	[tilespmem:$0x2200] =	vst v0  }
0x39: {  	[spmem:s6] =	stream.linear.scatter [tilespmem:s18], [sflag:$0x2], $0x10, $0x38;
	[tilespmem:$0x2330] =	vst v63  }
0x3a: {  	_ =	swait.ge [sflag:s9], $0x10  }
0x3b: {  	[sflag:s9] =	ssyncset.done $0x0  }
0x3c: {  	[sflag:s9] =	ssyncadd.s32 $0xFFFFFFF0  }
0x3d: {  	s20 =	simm.s32 @!p0 $0x2210;
	[bflag:$0x0] =	sbarrier.arrive $0xFFFF  }
0x3e: {  	[tilespmem:s20], [sflag:$0x2] =	stream.linear.gather @!p0 [spmem:s2], $0x100, $0x38;
	[tilespmem:$0x2330] =	vst v63  }
0x3f: {  	s20 =	simm.s32 @!p0 $0x2  }
0x40: {  	_ =	swait.ge @!p0 [sflag:s20], $0x100  }
0x41: {  	[sflag:s20] =	ssyncset.done @!p0 $0x0  }
0x42: {  	s21 =	simm.s32 @!p0 $0x0;
	s22 =	simm.s32 @!p0 $0x2310;
	[sflag:s20] =	ssyncadd.s32 @!p0 $0xFFFFFF00  }
0x43: {  	[tilespmem:s22], [sflag:$0x2] =	stream.linear.gather @!p0 [hbm4b:s1+s21], $0x10, $0x38;
	[tilespmem:$0x2330] =	vst v63  }
0x44: {  	_ =	swait.ge @!p0 [sflag:s20], $0x10  }
0x45: {  	[sflag:s20] =	ssyncset.done @!p0 $0x0  }
0x46: {  	[sflag:s20] =	ssyncadd.s32 @!p0 $0xFFFFFFF0  }
0x47: {  	v0 =	vld @!p0 [tilespmem:$0x2210]  }
0x48: {  	v1 =	vld @!p0 [tilespmem:$0x2220];
	_ =	sdelay $0x1  }
0x49: {  	v2 =	vld @!p0 [tilespmem:$0x2230];
	_ =	sdelay $0x1  }
0x4a: {  	v3 =	vld @!p0 [tilespmem:$0x2240]  }
0x4b: {  	v0 =	vadd.f32 @!p0 v1, v0  }
0x4c: {  	v1 =	vld @!p0 [tilespmem:$0x2250]  }
0x4d: {  	v0 =	vadd.f32 @!p0 v2, v0  }
0x4e: {  	v2 =	vld @!p0 [tilespmem:$0x2260]  }
0x4f: {  	v0 =	vadd.f32 @!p0 v3, v0  }
0x50: {  	v3 =	vld @!p0 [tilespmem:$0x2270]  }
0x51: {  	v0 =	vadd.f32 @!p0 v1, v0  }
0x52: {  	v1 =	vld @!p0 [tilespmem:$0x2280]  }
0x53: {  	v0 =	vadd.f32 @!p0 v2, v0  }
0x54: {  	v2 =	vld @!p0 [tilespmem:$0x2290]  }
0x55: {  	v0 =	vadd.f32 @!p0 v3, v0  }
0x56: {  	v3 =	vld @!p0 [tilespmem:$0x22A0]  }
0x57: {  	v0 =	vadd.f32 @!p0 v1, v0  }
0x58: {  	v1 =	vld @!p0 [tilespmem:$0x22B0]  }
0x59: {  	v0 =	vadd.f32 @!p0 v2, v0  }
0x5a: {  	v2 =	vld @!p0 [tilespmem:$0x22C0]  }
0x5b: {  	v0 =	vadd.f32 @!p0 v3, v0  }
0x5c: {  	v3 =	vld @!p0 [tilespmem:$0x22D0]  }
0x5d: {  	v0 =	vadd.f32 @!p0 v1, v0  }
0x5e: {  	v1 =	vld @!p0 [tilespmem:$0x22E0]  }
0x5f: {  	v0 =	vadd.f32 @!p0 v2, v0  }
0x60: {  	v2 =	vld @!p0 [tilespmem:$0x22F0]  }
0x61: {  	v0 =	vadd.f32 @!p0 v3, v0  }
0x62: {  	v3 =	vld @!p0 [tilespmem:$0x2300]  }
0x63: {  	v0 =	vadd.f32 @!p0 v1, v0  }
0x64: {  	v1 =	vld @!p1 [tilespmem:$0x2310]  }
0x65: {  	v0 =	vadd.f32 @!p0 v2, v0;
	_ =	sdelay $0x1  }
0x66: {  	v0 =	vadd.f32 @!p0 v3, v0;
	_ =	sdelay $0x1  }
0x67: {  	v1 =	vadd.f32 @!p1 v1, v0  }
0x68: {  	s19 =	sadd.s32 $0x1, s19  }
0x69: {  	p3 =	sne.s32 s19, s8;
	v0 =	vpsel p2, v1, v0  }
.Ltmp1:
0x6a: {  	s22 =	simm.s32 @!p0 $0x2200;
	[tilespmem:$0x2200] =	vst @!p0 v0;
	(pc) =	sbr.rel @p3 .LBB2_1-.Ltmp1, $4  }
0x6b: {  	[hbm4b:s7+s21] =	stream.linear.scatter @!p0 [tilespmem:s22], [sflag:$0x2], $0x10, $0x38;
	[tilespmem:$0x2330] =	vst v63  }
0x6c: {  	_ =	swait.ge @!p0 [sflag:s20], $0x10  }
0x6d: {  	[sflag:s20] =	ssyncset.done @!p0 $0x0  }
0x6e: {  	[sflag:s20] =	ssyncadd.s32 @!p0 $0xFFFFFFF0  }
0x6f: {  	_ =	sfence.sel $0x180000  }
0x70: {  	[bflag:$0x0] =	sbarrier.arrive $0xFFFF  }
0x71: {  	_ =	strace $0x90000047  }
0x72: {  	s0 =	sadd.s32 @!p0 $0x100000, s0;
	[bflag:$0x2] =	sbarrier.arrive $0xFFFF  }
0x73: {  	[sflag:s0] =	ssyncadd.tile.s32 @!p0 $0x1;
	_ =	shalt  }
.Lfunc_end2:
_tile_overlayer_lowered:
.L_overlay_start_2:
0x74: {  	(tag) =	ssettag $0x2  }
0x75: {  	s0 =	rddreg [dreg:$0x0];
	s2 =	stileid.u32  }
0x76: {  	s1 =	rddreg [dreg:$0x1];
	p0 =	sne.s32 s2, $0x0  }
0x77: {  	s3 =	rddreg [dreg:$0x2];
	[bflag:$0x3] =	sbarrier.arrive $0xFFFF;
	s2 =	simm.s32 @!p0 $0x1C02  }
0x78: {  	[timem:s3], [sflag:s2] =	dma.local @!p0 [hbm:s0], s1  }
0x79: {  	s0 =	simm.s32 @!p0 $0x2  }
0x7a: {  	_ =	swait.ge @!p0 [sflag:s0], s1  }
0x7b: {  	s1 =	ssub.s32 @!p0 $0x0, s1;
	[sflag:s0] =	ssyncset.done @!p0 $0x0  }
0x7c: {  	[sflag:s0] =	ssyncadd.s32 @!p0 s1  }
0x7d: {  	[bflag:$0x3] =	sbarrier.arrive $0xFFFF  }
0x7e: {  	_ =	shalt  }

</sc_bundles>
